<compile_context>
chip_gen: v7x
topology: tpu7x:2x2x1
jax: 0.10.2.dev20260603
libtpu: 0.0.44.dev20260713+nightly
codegen_flags: <defaults>
</compile_context>

<pallas_src>
import functools
import math

import jax
import jax.numpy as jnp
from jax import lax
from jax.experimental import pallas as pl
from jax.experimental.pallas import tpu as pltpu
from jax.experimental.pallas import tpu_sc as plsc

CB_SIZE = 8192
CB_DIM = 64
LMBDA = 0.5
B = 16384
BM = 1024

_LOG2 = math.log(2.0)


def _tc_body(x_ref, cbt_ref, logits_ref, idx_ref, bits_ref):
    i = pl.program_id(0)

    logits = logits_ref[...]
    m = jnp.max(logits, axis=-1, keepdims=True)
    shifted = logits - m
    lse = jnp.log(jnp.sum(jnp.exp(shifted), axis=-1, keepdims=True))
    log2_pmf = -(shifted - lse) / _LOG2

    xb = x_ref[...]
    cbt = cbt_ref[...]

    x2 = jnp.sum(xb * xb, axis=1, keepdims=True)
    c2 = jnp.sum(cbt * cbt, axis=0, keepdims=True)
    cross = jnp.dot(xb, cbt, preferred_element_type=jnp.float32)

    t = jnp.maximum(x2 + c2 - 2.0 * cross, 0.0)
    s = jnp.where(t == 0.0, 0.0, t * lax.rsqrt(t))
    dist = s + log2_pmf / LMBDA

    idx = jnp.argmin(dist, axis=1).astype(jnp.int32)
    cols = lax.broadcasted_iota(jnp.int32, dist.shape, 1)

    sel = cols == idx[:, None]
    lp = jnp.min(jnp.where(sel, log2_pmf, jnp.inf), axis=1)

    idx_ref[...] = idx[:, None]

    @pl.when(i == 0)
    def _init():
        bits_ref[...] = jnp.zeros_like(bits_ref)

    bits_ref[...] += jnp.sum(lp).reshape(1, 1)


def _tc_quant(x, cbt, logits):
    grid = (B // BM,)
    return pl.pallas_call(
        _tc_body,
        grid=grid,
        in_specs=[
            pl.BlockSpec((BM, CB_DIM), lambda i: (i, 0)),
            pl.BlockSpec((CB_DIM, CB_SIZE), lambda i: (0, 0)),
            pl.BlockSpec((1, CB_SIZE), lambda i: (0, 0)),
        ],
        out_specs=[
            pl.BlockSpec((BM, 1), lambda i: (i, 0)),
            pl.BlockSpec((1, 1), lambda i: (0, 0)),
        ],
        out_shape=[
            jax.ShapeDtypeStruct((B, 1), jnp.int32),
            jax.ShapeDtypeStruct((1, 1), jnp.float32),
        ],
    )(x, cbt, logits)



_SC_CHUNK = 128


def _make_sc_gather():
    info = plsc.get_sparse_core_info()
    nw = info.num_cores * info.num_subcores
    b_per_w = B // nw
    nchunk = b_per_w // _SC_CHUNK
    mesh = plsc.VectorSubcoreMesh(core_axis_name="c", subcore_axis_name="s")

    @functools.partial(
        pl.kernel,
        mesh=mesh,
        out_type=jax.ShapeDtypeStruct((B, CB_DIM), jnp.float32),
        scratch_types=[
            pltpu.VMEM((nchunk, _SC_CHUNK), jnp.int32),
            pltpu.VMEM((b_per_w, CB_DIM), jnp.float32),
            pltpu.SemaphoreType.DMA,
        ],
        compiler_params=pltpu.CompilerParams(use_tc_tiling_on_sc=False),
    )
    def sc_gather(cb_hbm, idx_hbm, out_hbm, idx_v, rows_v, sem):
        wid = lax.axis_index("s") * info.num_cores + lax.axis_index("c")
        base = wid * b_per_w
        pltpu.sync_copy(idx_hbm.at[pl.ds(wid * nchunk, nchunk)], idx_v)
        for j in range(nchunk):
            pltpu.async_copy(
                cb_hbm.at[idx_v.at[j]],
                rows_v.at[pl.ds(j * _SC_CHUNK, _SC_CHUNK)],
                sem,
            ).wait()
        pltpu.sync_copy(rows_v, out_hbm.at[pl.ds(base, b_per_w)])

    return sc_gather


def kernel(x, codebook, logits):
    cb2d = codebook[0]
    cbt = cb2d.T
    idx2d, bits = _tc_quant(x, cbt, logits)
    idx_rows = idx2d.reshape(B // _SC_CHUNK, _SC_CHUNK)
    x_hat = _make_sc_gather()(cb2d, idx_rows)
    return (x_hat, bits.reshape(()), idx2d)

# --- scband reference (transcript-rebuilt; emitter-appended) ---
"""Pipeline reference for scband-ecvq-17884243821128 (READ-ONLY COPY).

The authoritative reference and input builder live on the scoring server;
editing this copy changes nothing except your own understanding.
"""

import jax, jax.numpy as jnp
import numpy as np
import math

CB = 1
CB_SIZE = 8192
CB_DIM = 64
X_DIM = CB * CB_DIM
LMBDA = 0.5
PATCH = 16384
B = 16384


def setup_inputs(seed: int = 0) -> dict:
    key = jax.random.key(seed)
    k1, k2, k3 = jax.random.split(key, 3)
    x = jax.random.normal(k1, (B, X_DIM), dtype=jnp.float32)
    codebook = jax.random.normal(k2, (CB, CB_SIZE, CB_DIM), dtype=jnp.float32) * (1.0 / math.sqrt(CB_DIM))
    logits = jax.random.normal(k3, (CB, CB_SIZE), dtype=jnp.float32) * 0.1
    return {"x": x, "codebook": codebook, "logits": logits}


def _quant(xp, codebook, logits):
    # log2_pmf = log_softmax(logits) / -log(2)  (bits per codeword)
    log2_pmf = -jax.nn.log_softmax(logits, axis=-1) / math.log(2.0)  # (cb, cb_size)
    xr = xp.reshape(-1, CB, CB_DIM).transpose(1, 0, 2)  # (cb, b, cb_dim)
    # Euclidean distance (torch.cdist p=2) via expansion to avoid O(b*K*d) memory
    x2 = jnp.sum(xr * xr, axis=-1, keepdims=True)          # (cb, b, 1)
    c2 = jnp.sum(codebook * codebook, axis=-1)[:, None, :]  # (cb, 1, cb_size)
    cross = jnp.einsum('cbd,ckd->cbk', xr, codebook)         # (cb, b, cb_size)
    dist = jnp.sqrt(jnp.clip(x2 + c2 - 2.0 * cross, 0.0, None))
    dist = dist.transpose(1, 0, 2)  # (b, cb, cb_size)
    # rate-constrained distortion
    dist = dist + log2_pmf[None, :, :] / LMBDA
    index = jnp.argmin(dist, axis=-1)  # (b, cb)
    idx = index.reshape(-1)  # cb == 1, matches torch index.squeeze()
    x_hat = jnp.take(codebook, idx, axis=1).transpose(1, 0, 2).reshape(-1, CB * CB_DIM)
    log2_prob = jnp.take(log2_pmf, idx, axis=1).transpose(1, 0)  # (b, cb)
    return x_hat, log2_prob, index


def reference(x, codebook, logits):
    xh, lp, xi = [], [], []
    for i in range(0, x.shape[0], PATCH):
        a, b_, c_ = _quant(x[i:i + PATCH], codebook, logits)
        xh.append(a)
        lp.append(b_)
        xi.append(c_)
    x_hat = jnp.concatenate(xh, axis=0)
    log2_prob = jnp.concatenate(lp, axis=0)
    x_index = jnp.concatenate(xi, axis=0)
    bits = log2_prob.sum()
    return (x_hat, bits, x_index)

if __name__ == "__main__":
    import jax
    _d = setup_inputs()
    print(jax.jit(kernel)(*tuple(_d.values())))

</pallas_src>

<mosaic_0001>
#map = affine_map<(d0, d1) -> (0, 0)>
module attributes {stable_mosaic.version = 14 : i64} {
  func.func @sc_gather(%arg0: i32, %arg1: i32, %arg2: memref<8192x64xf32, #tpu.memory_space<hbm>>, %arg3: memref<128x128xi32, #tpu.memory_space<hbm>>, %arg4: memref<16384x64xf32, #tpu.memory_space<hbm>>, %arg5: memref<4x128xi32, #tpu.memory_space<vmem>>, %arg6: memref<512x64xf32, #tpu.memory_space<vmem>>, %arg7: memref<!tpu.dma_semaphore, #tpu.memory_space<semaphore_mem>>) attributes {dimension_semantics = [#tpu.dimension_semantics<core_parallel>, #tpu.dimension_semantics<subcore_parallel>], iteration_bounds = array<i64: 2, 16>, scalar_prefetch = 0 : i64, scratch_operands = 3 : i64, tpu.core_type = #tpu.core_type<sc_vector_subcore>, window_params = [{transform_indices = #map}, {transform_indices = #map}, {transform_indices = #map}]} {
    %mul3A = arith.constant 2 : i32
    %mul3A_0 = arith.muli %arg1, %mul3A : i32
    %add3A = arith.addi %mul3A_0, %arg0 : i32
    %mul3A_1 = arith.constant 512 : i32
    %mul3A_2 = arith.muli %add3A, %mul3A_1 : i32
    %mul3A_3 = arith.constant 4 : i32
    %mul3A_4 = arith.muli %add3A, %mul3A_3 : i32
    "tpu.region"() ({
      %run_scoped3A = tpu.sem_alloc : memref<!tpu.dma_semaphore, #tpu.memory_space<semaphore_mem>>
      %dma_start3A_83 = arith.constant 0 : i32
      %dma_start3A_84 = tpu.memref_slice %arg3[%mul3A_4, %dma_start3A_83] : memref<128x128xi32, #tpu.memory_space<hbm>> -> memref<4x128xi32, #tpu.memory_space<hbm>>
      %dma_start3A_85 = arith.constant 0 : i32
      %dma_start3A_86 = tpu.memref_slice %arg3[%mul3A_4, %dma_start3A_85] : memref<128x128xi32, #tpu.memory_space<hbm>> -> memref<4x128xi32, #tpu.memory_space<hbm>>
      tpu.enqueue_dma source(%dma_start3A_86 : memref<4x128xi32, #tpu.memory_space<hbm>>) target(%arg5 : memref<4x128xi32, #tpu.memory_space<vmem>>) target_semaphore(%run_scoped3A : memref<!tpu.dma_semaphore, #tpu.memory_space<semaphore_mem>>)
      %dma_wait3A_87 = arith.constant 0 : i32
      %dma_wait3A_88 = tpu.memref_slice %arg3[%mul3A_4, %dma_wait3A_87] : memref<128x128xi32, #tpu.memory_space<hbm>> -> memref<4x128xi32, #tpu.memory_space<hbm>>
      %dma_wait3A_89 = arith.constant 0 : i32
      %dma_wait3A_90 = tpu.memref_slice %arg3[%mul3A_4, %dma_wait3A_89] : memref<128x128xi32, #tpu.memory_space<hbm>> -> memref<4x128xi32, #tpu.memory_space<hbm>>
      tpu.wait_dma2 semaphore(%run_scoped3A : memref<!tpu.dma_semaphore, #tpu.memory_space<semaphore_mem>>) src(%dma_wait3A_90 : memref<4x128xi32, #tpu.memory_space<hbm>>) dst(%arg5 : memref<4x128xi32, #tpu.memory_space<vmem>>)
      tpu.yield
    }) : () -> ()
    %dma_start3A = arith.constant 0 : i32
    %dma_start3A_5 = arith.constant 0 : i32
    %dma_start3A_6 = arith.constant 0 : i32
    %dma_start3A_7 = tpu.memref_slice %arg6[%dma_start3A_5, %dma_start3A_6] : memref<512x64xf32, #tpu.memory_space<vmem>> -> memref<128x64xf32, #tpu.memory_space<vmem>>
    %dma_start3A_8 = arith.constant 0 : i32
    %dma_start3A_9 = tpu.memref_slice %arg5[%dma_start3A, %dma_start3A_8] : memref<4x128xi32, #tpu.memory_space<vmem>> -> memref<1x128xi32, #tpu.memory_space<vmem>>
    %dma_start3A_10 = tpu.memref_squeeze %dma_start3A_9 : memref<1x128xi32, #tpu.memory_space<vmem>> -> memref<128xi32, #tpu.memory_space<vmem>>
    %dma_start3A_11 = arith.constant 0 : i32
    %dma_start3A_12 = arith.constant 0 : i32
    %dma_start3A_13 = tpu.memref_slice %arg2[%dma_start3A_11, %dma_start3A_12] : memref<8192x64xf32, #tpu.memory_space<hbm>> -> memref<8192x64xf32, #tpu.memory_space<hbm>>
    tpu.enqueue_indirect_dma source(%dma_start3A_13 : memref<8192x64xf32, #tpu.memory_space<hbm>>) target(%dma_start3A_7 : memref<128x64xf32, #tpu.memory_space<vmem>>) offsets(%dma_start3A_10 : memref<128xi32, #tpu.memory_space<vmem>>) semaphore(%arg7 : memref<!tpu.dma_semaphore, #tpu.memory_space<semaphore_mem>>)
    %dma_wait3A = arith.constant 0 : i32
    %dma_wait3A_14 = arith.constant 0 : i32
    %dma_wait3A_15 = arith.constant 0 : i32
    %dma_wait3A_16 = tpu.memref_slice %arg6[%dma_wait3A_14, %dma_wait3A_15] : memref<512x64xf32, #tpu.memory_space<vmem>> -> memref<128x64xf32, #tpu.memory_space<vmem>>
    %dma_wait3A_17 = arith.constant 0 : i32
    %dma_wait3A_18 = tpu.memref_slice %arg5[%dma_wait3A, %dma_wait3A_17] : memref<4x128xi32, #tpu.memory_space<vmem>> -> memref<1x128xi32, #tpu.memory_space<vmem>>
    %dma_wait3A_19 = tpu.memref_squeeze %dma_wait3A_18 : memref<1x128xi32, #tpu.memory_space<vmem>> -> memref<128xi32, #tpu.memory_space<vmem>>
    %dma_wait3A_20 = arith.constant 0 : i32
    %dma_wait3A_21 = arith.constant 0 : i32
    %dma_wait3A_22 = tpu.memref_slice %arg2[%dma_wait3A_20, %dma_wait3A_21] : memref<8192x64xf32, #tpu.memory_space<hbm>> -> memref<8192x64xf32, #tpu.memory_space<hbm>>
    tpu.wait_indirect_dma semaphore(%arg7 : memref<!tpu.dma_semaphore, #tpu.memory_space<semaphore_mem>>) src(%dma_wait3A_22 : memref<8192x64xf32, #tpu.memory_space<hbm>>) dst(%dma_wait3A_16 : memref<128x64xf32, #tpu.memory_space<vmem>>)
    %dma_start3A_23 = arith.constant 1 : i32
    %dma_start3A_24 = arith.constant 128 : i32
    %dma_start3A_25 = arith.constant 0 : i32
    %dma_start3A_26 = tpu.memref_slice %arg6[%dma_start3A_24, %dma_start3A_25] : memref<512x64xf32, #tpu.memory_space<vmem>> -> memref<128x64xf32, #tpu.memory_space<vmem>>
    %dma_start3A_27 = arith.constant 0 : i32
    %dma_start3A_28 = tpu.memref_slice %arg5[%dma_start3A_23, %dma_start3A_27] : memref<4x128xi32, #tpu.memory_space<vmem>> -> memref<1x128xi32, #tpu.memory_space<vmem>>
    %dma_start3A_29 = tpu.memref_squeeze %dma_start3A_28 : memref<1x128xi32, #tpu.memory_space<vmem>> -> memref<128xi32, #tpu.memory_space<vmem>>
    %dma_start3A_30 = arith.constant 0 : i32
    %dma_start3A_31 = arith.constant 0 : i32
    %dma_start3A_32 = tpu.memref_slice %arg2[%dma_start3A_30, %dma_start3A_31] : memref<8192x64xf32, #tpu.memory_space<hbm>> -> memref<8192x64xf32, #tpu.memory_space<hbm>>
    tpu.enqueue_indirect_dma source(%dma_start3A_32 : memref<8192x64xf32, #tpu.memory_space<hbm>>) target(%dma_start3A_26 : memref<128x64xf32, #tpu.memory_space<vmem>>) offsets(%dma_start3A_29 : memref<128xi32, #tpu.memory_space<vmem>>) semaphore(%arg7 : memref<!tpu.dma_semaphore, #tpu.memory_space<semaphore_mem>>)
    %dma_wait3A_33 = arith.constant 1 : i32
    %dma_wait3A_34 = arith.constant 128 : i32
    %dma_wait3A_35 = arith.constant 0 : i32
    %dma_wait3A_36 = tpu.memref_slice %arg6[%dma_wait3A_34, %dma_wait3A_35] : memref<512x64xf32, #tpu.memory_space<vmem>> -> memref<128x64xf32, #tpu.memory_space<vmem>>
    %dma_wait3A_37 = arith.constant 0 : i32
    %dma_wait3A_38 = tpu.memref_slice %arg5[%dma_wait3A_33, %dma_wait3A_37] : memref<4x128xi32, #tpu.memory_space<vmem>> -> memref<1x128xi32, #tpu.memory_space<vmem>>
    %dma_wait3A_39 = tpu.memref_squeeze %dma_wait3A_38 : memref<1x128xi32, #tpu.memory_space<vmem>> -> memref<128xi32, #tpu.memory_space<vmem>>
    %dma_wait3A_40 = arith.constant 0 : i32
    %dma_wait3A_41 = arith.constant 0 : i32
    %dma_wait3A_42 = tpu.memref_slice %arg2[%dma_wait3A_40, %dma_wait3A_41] : memref<8192x64xf32, #tpu.memory_space<hbm>> -> memref<8192x64xf32, #tpu.memory_space<hbm>>
    tpu.wait_indirect_dma semaphore(%arg7 : memref<!tpu.dma_semaphore, #tpu.memory_space<semaphore_mem>>) src(%dma_wait3A_42 : memref<8192x64xf32, #tpu.memory_space<hbm>>) dst(%dma_wait3A_36 : memref<128x64xf32, #tpu.memory_space<vmem>>)
    %dma_start3A_43 = arith.constant 2 : i32
    %dma_start3A_44 = arith.constant 256 : i32
    %dma_start3A_45 = arith.constant 0 : i32
    %dma_start3A_46 = tpu.memref_slice %arg6[%dma_start3A_44, %dma_start3A_45] : memref<512x64xf32, #tpu.memory_space<vmem>> -> memref<128x64xf32, #tpu.memory_space<vmem>>
    %dma_start3A_47 = arith.constant 0 : i32
    %dma_start3A_48 = tpu.memref_slice %arg5[%dma_start3A_43, %dma_start3A_47] : memref<4x128xi32, #tpu.memory_space<vmem>> -> memref<1x128xi32, #tpu.memory_space<vmem>>
    %dma_start3A_49 = tpu.memref_squeeze %dma_start3A_48 : memref<1x128xi32, #tpu.memory_space<vmem>> -> memref<128xi32, #tpu.memory_space<vmem>>
    %dma_start3A_50 = arith.constant 0 : i32
    %dma_start3A_51 = arith.constant 0 : i32
    %dma_start3A_52 = tpu.memref_slice %arg2[%dma_start3A_50, %dma_start3A_51] : memref<8192x64xf32, #tpu.memory_space<hbm>> -> memref<8192x64xf32, #tpu.memory_space<hbm>>
    tpu.enqueue_indirect_dma source(%dma_start3A_52 : memref<8192x64xf32, #tpu.memory_space<hbm>>) target(%dma_start3A_46 : memref<128x64xf32, #tpu.memory_space<vmem>>) offsets(%dma_start3A_49 : memref<128xi32, #tpu.memory_space<vmem>>) semaphore(%arg7 : memref<!tpu.dma_semaphore, #tpu.memory_space<semaphore_mem>>)
    %dma_wait3A_53 = arith.constant 2 : i32
    %dma_wait3A_54 = arith.constant 256 : i32
    %dma_wait3A_55 = arith.constant 0 : i32
    %dma_wait3A_56 = tpu.memref_slice %arg6[%dma_wait3A_54, %dma_wait3A_55] : memref<512x64xf32, #tpu.memory_space<vmem>> -> memref<128x64xf32, #tpu.memory_space<vmem>>
    %dma_wait3A_57 = arith.constant 0 : i32
    %dma_wait3A_58 = tpu.memref_slice %arg5[%dma_wait3A_53, %dma_wait3A_57] : memref<4x128xi32, #tpu.memory_space<vmem>> -> memref<1x128xi32, #tpu.memory_space<vmem>>
    %dma_wait3A_59 = tpu.memref_squeeze %dma_wait3A_58 : memref<1x128xi32, #tpu.memory_space<vmem>> -> memref<128xi32, #tpu.memory_space<vmem>>
    %dma_wait3A_60 = arith.constant 0 : i32
    %dma_wait3A_61 = arith.constant 0 : i32
    %dma_wait3A_62 = tpu.memref_slice %arg2[%dma_wait3A_60, %dma_wait3A_61] : memref<8192x64xf32, #tpu.memory_space<hbm>> -> memref<8192x64xf32, #tpu.memory_space<hbm>>
    tpu.wait_indirect_dma semaphore(%arg7 : memref<!tpu.dma_semaphore, #tpu.memory_space<semaphore_mem>>) src(%dma_wait3A_62 : memref<8192x64xf32, #tpu.memory_space<hbm>>) dst(%dma_wait3A_56 : memref<128x64xf32, #tpu.memory_space<vmem>>)
    %dma_start3A_63 = arith.constant 3 : i32
    %dma_start3A_64 = arith.constant 384 : i32
    %dma_start3A_65 = arith.constant 0 : i32
    %dma_start3A_66 = tpu.memref_slice %arg6[%dma_start3A_64, %dma_start3A_65] : memref<512x64xf32, #tpu.memory_space<vmem>> -> memref<128x64xf32, #tpu.memory_space<vmem>>
    %dma_start3A_67 = arith.constant 0 : i32
    %dma_start3A_68 = tpu.memref_slice %arg5[%dma_start3A_63, %dma_start3A_67] : memref<4x128xi32, #tpu.memory_space<vmem>> -> memref<1x128xi32, #tpu.memory_space<vmem>>
    %dma_start3A_69 = tpu.memref_squeeze %dma_start3A_68 : memref<1x128xi32, #tpu.memory_space<vmem>> -> memref<128xi32, #tpu.memory_space<vmem>>
    %dma_start3A_70 = arith.constant 0 : i32
    %dma_start3A_71 = arith.constant 0 : i32
    %dma_start3A_72 = tpu.memref_slice %arg2[%dma_start3A_70, %dma_start3A_71] : memref<8192x64xf32, #tpu.memory_space<hbm>> -> memref<8192x64xf32, #tpu.memory_space<hbm>>
    tpu.enqueue_indirect_dma source(%dma_start3A_72 : memref<8192x64xf32, #tpu.memory_space<hbm>>) target(%dma_start3A_66 : memref<128x64xf32, #tpu.memory_space<vmem>>) offsets(%dma_start3A_69 : memref<128xi32, #tpu.memory_space<vmem>>) semaphore(%arg7 : memref<!tpu.dma_semaphore, #tpu.memory_space<semaphore_mem>>)
    %dma_wait3A_73 = arith.constant 3 : i32
    %dma_wait3A_74 = arith.constant 384 : i32
    %dma_wait3A_75 = arith.constant 0 : i32
    %dma_wait3A_76 = tpu.memref_slice %arg6[%dma_wait3A_74, %dma_wait3A_75] : memref<512x64xf32, #tpu.memory_space<vmem>> -> memref<128x64xf32, #tpu.memory_space<vmem>>
    %dma_wait3A_77 = arith.constant 0 : i32
    %dma_wait3A_78 = tpu.memref_slice %arg5[%dma_wait3A_73, %dma_wait3A_77] : memref<4x128xi32, #tpu.memory_space<vmem>> -> memref<1x128xi32, #tpu.memory_space<vmem>>
    %dma_wait3A_79 = tpu.memref_squeeze %dma_wait3A_78 : memref<1x128xi32, #tpu.memory_space<vmem>> -> memref<128xi32, #tpu.memory_space<vmem>>
    %dma_wait3A_80 = arith.constant 0 : i32
    %dma_wait3A_81 = arith.constant 0 : i32
    %dma_wait3A_82 = tpu.memref_slice %arg2[%dma_wait3A_80, %dma_wait3A_81] : memref<8192x64xf32, #tpu.memory_space<hbm>> -> memref<8192x64xf32, #tpu.memory_space<hbm>>
    tpu.wait_indirect_dma semaphore(%arg7 : memref<!tpu.dma_semaphore, #tpu.memory_space<semaphore_mem>>) src(%dma_wait3A_82 : memref<8192x64xf32, #tpu.memory_space<hbm>>) dst(%dma_wait3A_76 : memref<128x64xf32, #tpu.memory_space<vmem>>)
    "tpu.region"() ({
      %run_scoped3A = tpu.sem_alloc : memref<!tpu.dma_semaphore, #tpu.memory_space<semaphore_mem>>
      %dma_start3A_83 = arith.constant 0 : i32
      %dma_start3A_84 = tpu.memref_slice %arg4[%mul3A_2, %dma_start3A_83] : memref<16384x64xf32, #tpu.memory_space<hbm>> -> memref<512x64xf32, #tpu.memory_space<hbm>>
      %dma_start3A_85 = arith.constant 0 : i32
      %dma_start3A_86 = tpu.memref_slice %arg4[%mul3A_2, %dma_start3A_85] : memref<16384x64xf32, #tpu.memory_space<hbm>> -> memref<512x64xf32, #tpu.memory_space<hbm>>
      tpu.enqueue_dma source(%arg6 : memref<512x64xf32, #tpu.memory_space<vmem>>) target(%dma_start3A_86 : memref<512x64xf32, #tpu.memory_space<hbm>>) target_semaphore(%run_scoped3A : memref<!tpu.dma_semaphore, #tpu.memory_space<semaphore_mem>>)
      %dma_wait3A_87 = arith.constant 0 : i32
      %dma_wait3A_88 = tpu.memref_slice %arg4[%mul3A_2, %dma_wait3A_87] : memref<16384x64xf32, #tpu.memory_space<hbm>> -> memref<512x64xf32, #tpu.memory_space<hbm>>
      %dma_wait3A_89 = arith.constant 0 : i32
      %dma_wait3A_90 = tpu.memref_slice %arg4[%mul3A_2, %dma_wait3A_89] : memref<16384x64xf32, #tpu.memory_space<hbm>> -> memref<512x64xf32, #tpu.memory_space<hbm>>
      tpu.wait_dma2 semaphore(%run_scoped3A : memref<!tpu.dma_semaphore, #tpu.memory_space<semaphore_mem>>) src(%arg6 : memref<512x64xf32, #tpu.memory_space<vmem>>) dst(%dma_wait3A_90 : memref<512x64xf32, #tpu.memory_space<hbm>>)
      tpu.yield
    }) : () -> ()
    return
  }
}

module attributes {stable_mosaic.version = 14 : i64} {
  func.func @_tc_body(%arg0: i32, %arg1: memref<1024x64xf32, #tpu.memory_space<vmem>>, %arg2: memref<64x8192xf32, #tpu.memory_space<vmem>>, %arg3: memref<1x8192xf32, #tpu.memory_space<vmem>>, %arg4: memref<1024x1xi32, #tpu.memory_space<vmem>>, %arg5: memref<1x1xf32, #tpu.memory_space<vmem>>) attributes {dimension_semantics = [#tpu.dimension_semantics<arbitrary>], iteration_bounds = array<i64: 16>, scalar_prefetch = 0 : i64, scratch_operands = 0 : i64, tpu.core_type = #tpu.core_type<tc>, window_params = [{transform_indices = @transform_0, window_bounds = array<i64: 1024, 64>}, {pipeline_mode = #tpu.pipeline_mode<synchronous>, transform_indices = @transform_1, window_bounds = array<i64: 64, 8192>}, {pipeline_mode = #tpu.pipeline_mode<synchronous>, transform_indices = @transform_2, window_bounds = array<i64: 1, 8192>}, {transform_indices = @transform_3, window_bounds = array<i64: 1024, 1>}, {pipeline_mode = #tpu.pipeline_mode<synchronous>, transform_indices = @transform_4, window_bounds = array<i64: 1, 1>}]} {
    %get3A = arith.constant 0 : index
    %get3A_0 = arith.constant 0 : index
    %get3A_1 = vector.load %arg3[%get3A, %get3A_0] : memref<1x8192xf32, #tpu.memory_space<vmem>>, vector<1x8192xf32>
    %reduce_max3A = arith.constant dense<0xFF800000> : vector<1xf32>
    %reduce_max3A_2 = vector.multi_reduction <maximumf>, %get3A_1, %reduce_max3A [1] : vector<1x8192xf32> to vector<1xf32>
    %broadcast_in_dim3A = vector.shape_cast %reduce_max3A_2 : vector<1xf32> to vector<1x1xf32>
    %sub3A = vector.broadcast %broadcast_in_dim3A : vector<1x1xf32> to vector<1x8192xf32>
    %sub3A_3 = arith.subf %get3A_1, %sub3A : vector<1x8192xf32>
    %exp3A = math.exp %sub3A_3 : vector<1x8192xf32>
    %reduce_sum3A = arith.constant dense<0.000000e+00> : vector<1xf32>
    %reduce_sum3A_4 = vector.multi_reduction <add>, %exp3A, %reduce_sum3A [1] : vector<1x8192xf32> to vector<1xf32>
    %broadcast_in_dim3A_5 = vector.shape_cast %reduce_sum3A_4 : vector<1xf32> to vector<1x1xf32>
    %log3A = math.log %broadcast_in_dim3A_5 : vector<1x1xf32>
    %sub3A_6 = vector.broadcast %log3A : vector<1x1xf32> to vector<1x8192xf32>
    %sub3A_7 = arith.subf %sub3A_3, %sub3A_6 : vector<1x8192xf32>
    %neg3A = arith.constant 0.000000e+00 : f32
    %neg3A_8 = vector.broadcast %neg3A : f32 to vector<1x8192xf32>
    %neg3A_9 = arith.subf %neg3A_8, %sub3A_7 : vector<1x8192xf32>
    %div3A = arith.constant 0.693147182 : f32
    %div3A_10 = vector.broadcast %div3A : f32 to vector<1x8192xf32>
    %div3A_11 = arith.divf %neg3A_9, %div3A_10 : vector<1x8192xf32>
    %get3A_12 = arith.constant 0 : index
    %get3A_13 = arith.constant 0 : index
    %get3A_14 = vector.load %arg1[%get3A_12, %get3A_13] : memref<1024x64xf32, #tpu.memory_space<vmem>>, vector<1024x64xf32>
    %get3A_15 = arith.constant 0 : index
    %get3A_16 = arith.constant 0 : index
    %get3A_17 = vector.load %arg2[%get3A_15, %get3A_16] : memref<64x8192xf32, #tpu.memory_space<vmem>>, vector<64x8192xf32>
    %mul3A = arith.mulf %get3A_14, %get3A_14 : vector<1024x64xf32>
    %reduce_sum3A_18 = arith.constant dense<0.000000e+00> : vector<1024xf32>
    %reduce_sum3A_19 = vector.multi_reduction <add>, %mul3A, %reduce_sum3A_18 [1] : vector<1024x64xf32> to vector<1024xf32>
    %broadcast_in_dim3A_20 = vector.shape_cast %reduce_sum3A_19 : vector<1024xf32> to vector<1024x1xf32>
    %mul3A_21 = arith.mulf %get3A_17, %get3A_17 : vector<64x8192xf32>
    %reduce_sum3A_22 = arith.constant dense<0.000000e+00> : vector<8192xf32>
    %reduce_sum3A_23 = vector.multi_reduction <add>, %mul3A_21, %reduce_sum3A_22 [0] : vector<64x8192xf32> to vector<8192xf32>
    %broadcast_in_dim3A_24 = vector.shape_cast %reduce_sum3A_23 : vector<8192xf32> to vector<1x8192xf32>
    %dot_general3A = arith.constant dense<0.000000e+00> : vector<1024x8192xf32>
    %dot_general3A_25 = tpu.matmul %get3A_14, %get3A_17, %dot_general3A {dimension_numbers = #tpu.dot_dimension_numbers<[1], [0], [0], [1], [0, 0, 1, 1], [], []>, transpose_lhs_hint = false} : vector<1024x64xf32>, vector<64x8192xf32>, vector<1024x8192xf32> -> vector<1024x8192xf32>
    %add3A = vector.broadcast %broadcast_in_dim3A_20 : vector<1024x1xf32> to vector<1024x8192xf32>
    %add3A_26 = vector.broadcast %broadcast_in_dim3A_24 : vector<1x8192xf32> to vector<1024x8192xf32>
    %add3A_27 = arith.addf %add3A, %add3A_26 : vector<1024x8192xf32>
    %mul3A_28 = arith.constant 2.000000e+00 : f32
    %mul3A_29 = vector.broadcast %mul3A_28 : f32 to vector<1024x8192xf32>
    %mul3A_30 = arith.mulf %mul3A_29, %dot_general3A_25 : vector<1024x8192xf32>
    %sub3A_31 = arith.subf %add3A_27, %mul3A_30 : vector<1024x8192xf32>
    %max3A = arith.constant 0.000000e+00 : f32
    %max3A_32 = vector.broadcast %max3A : f32 to vector<1024x8192xf32>
    %max3A_33 = arith.maximumf %sub3A_31, %max3A_32 : vector<1024x8192xf32>
    %eq3A = arith.constant 0.000000e+00 : f32
    %eq3A_34 = vector.broadcast %eq3A : f32 to vector<1024x8192xf32>
    %eq3A_35 = arith.cmpf oeq, %max3A_33, %eq3A_34 : vector<1024x8192xf32>
    %rsqrt3A = math.rsqrt %max3A_33 : vector<1024x8192xf32>
    %mul3A_36 = arith.mulf %max3A_33, %rsqrt3A : vector<1024x8192xf32>
    %jit3A = arith.constant 0.000000e+00 : f32
    %broadcast_in_dim3A_37 = vector.broadcast %jit3A : f32 to vector<1024x8192xf32>
    %select_n3A = arith.select %eq3A_35, %broadcast_in_dim3A_37, %mul3A_36 : vector<1024x8192xi1>, vector<1024x8192xf32>
    %div3A_38 = arith.constant 5.000000e-01 : f32
    %div3A_39 = vector.broadcast %div3A_38 : f32 to vector<1x8192xf32>
    %div3A_40 = arith.divf %div3A_11, %div3A_39 : vector<1x8192xf32>
    %add3A_41 = vector.broadcast %div3A_40 : vector<1x8192xf32> to vector<1024x8192xf32>
    %add3A_42 = arith.addf %select_n3A, %add3A_41 : vector<1024x8192xf32>
    %argmin3A = tpu.reduce_index %add3A_42 {axis = 1 : i32, kind = #tpu.reduction_kind<arg_min>} : vector<1024x8192xf32> -> vector<1024xi32>
    %iota3A = tpu.iota {dimensions = array<i32: 1>} : vector<1024x8192xi32>
    %broadcast_in_dim3A_43 = vector.shape_cast %argmin3A : vector<1024xi32> to vector<1024x1xi32>
    %eq3A_44 = vector.broadcast %broadcast_in_dim3A_43 : vector<1024x1xi32> to vector<1024x8192xi32>
    %eq3A_45 = arith.cmpi eq, %iota3A, %eq3A_44 : vector<1024x8192xi32>
    %jit3A_46 = arith.constant 0x7F800000 : f32
    %broadcast_in_dim3A_47 = vector.shape_cast %div3A_11 : vector<1x8192xf32> to vector<1x8192xf32>
    %broadcast_in_dim3A_48 = vector.broadcast %broadcast_in_dim3A_47 : vector<1x8192xf32> to vector<1024x8192xf32>
    %broadcast_in_dim3A_49 = vector.broadcast %jit3A_46 : f32 to vector<1024x8192xf32>
    %select_n3A_50 = arith.select %eq3A_45, %broadcast_in_dim3A_48, %broadcast_in_dim3A_49 : vector<1024x8192xi1>, vector<1024x8192xf32>
    %reduce_min3A = arith.constant dense<0x7F800000> : vector<1024xf32>
    %reduce_min3A_51 = vector.multi_reduction <minimumf>, %select_n3A_50, %reduce_min3A [1] : vector<1024x8192xf32> to vector<1024xf32>
    %broadcast_in_dim3A_52 = vector.shape_cast %argmin3A : vector<1024xi32> to vector<1024x1xi32>
    %swap3A = arith.constant 0 : index
    %swap3A_53 = arith.constant 0 : index
    %swap3A_54 = vector.load %arg4[%swap3A, %swap3A_53] : memref<1024x1xi32, #tpu.memory_space<vmem>>, vector<1024x1xi32>
    tpu.vector_store %arg4[%swap3A, %swap3A_53], %broadcast_in_dim3A_52 {strides = array<i32>} : memref<1024x1xi32, #tpu.memory_space<vmem>>, vector<1024x1xi32>,
    %eq3A_55 = arith.constant 0 : i32
    %eq3A_56 = arith.cmpi eq, %arg0, %eq3A_55 : i32
    %convert_element_type3A = arith.extui %eq3A_56 : i1 to i32
    %cond3A = arith.constant 0 : i32
    %cond3A_57 = arith.cmpi ne, %convert_element_type3A, %cond3A : i32
    scf.if %cond3A_57 {
      %broadcast_in_dim3A_70 = arith.constant 0.000000e+00 : f32
      %broadcast_in_dim3A_71 = vector.broadcast %broadcast_in_dim3A_70 : f32 to vector<1x1xf32>
      %swap3A_72 = arith.constant 0 : index
      %swap3A_73 = arith.constant 0 : index
      %swap3A_74 = vector.load %arg5[%swap3A_72, %swap3A_73] : memref<1x1xf32, #tpu.memory_space<vmem>>, vector<1x1xf32>
      tpu.vector_store %arg5[%swap3A_72, %swap3A_73], %broadcast_in_dim3A_71 {strides = array<i32>} : memref<1x1xf32, #tpu.memory_space<vmem>>, vector<1x1xf32>,
    } else {
    }
    %get3A_58 = arith.constant 0 : index
    %get3A_59 = arith.constant 0 : index
    %get3A_60 = vector.load %arg5[%get3A_58, %get3A_59] : memref<1x1xf32, #tpu.memory_space<vmem>>, vector<1x1xf32>
    %reduce_sum3A_61 = vector.shape_cast %reduce_min3A_51 : vector<1024xf32> to vector<1x1024xf32>
    %reduce_sum3A_62 = arith.constant dense<0.000000e+00> : vector<1xf32>
    %reduce_sum3A_63 = vector.multi_reduction <add>, %reduce_sum3A_61, %reduce_sum3A_62 [1] : vector<1x1024xf32> to vector<1xf32>
    %reduce_sum3A_64 = vector.shape_cast %reduce_sum3A_63 : vector<1xf32> to vector<1x1xf32>
    %reduce_sum3A_65 = vector.extract %reduce_sum3A_64[0, 0] : f32 from vector<1x1xf32>
    %reshape3A = vector.broadcast %reduce_sum3A_65 : f32 to vector<1x1xf32>
    %add3A_66 = arith.addf %get3A_60, %reshape3A : vector<1x1xf32>
    %swap3A_67 = arith.constant 0 : index
    %swap3A_68 = arith.constant 0 : index
    %swap3A_69 = vector.load %arg5[%swap3A_67, %swap3A_68] : memref<1x1xf32, #tpu.memory_space<vmem>>, vector<1x1xf32>
    tpu.vector_store %arg5[%swap3A_67, %swap3A_68], %add3A_66 {strides = array<i32>} : memref<1x1xf32, #tpu.memory_space<vmem>>, vector<1x1xf32>,
    return
  }
  func.func @transform_0(%arg0: i32) -> (i32, i32) {
    %c0_i32 = arith.constant 0 : i32
    %c0_i32_0 = arith.constant 0 : i32
    return %arg0, %c0_i32 : i32, i32
  }
  func.func @transform_1(%arg0: i32) -> (i32, i32) {
    %c0_i32 = arith.constant 0 : i32
    %c0_i32_0 = arith.constant 0 : i32
    %c0_i32_1 = arith.constant 0 : i32
    return %c0_i32, %c0_i32_0 : i32, i32
  }
  func.func @transform_2(%arg0: i32) -> (i32, i32) {
    %c0_i32 = arith.constant 0 : i32
    %c0_i32_0 = arith.constant 0 : i32
    %c0_i32_1 = arith.constant 0 : i32
    return %c0_i32, %c0_i32_0 : i32, i32
  }
  func.func @transform_3(%arg0: i32) -> (i32, i32) {
    %c0_i32 = arith.constant 0 : i32
    %c0_i32_0 = arith.constant 0 : i32
    return %arg0, %c0_i32 : i32, i32
  }
  func.func @transform_4(%arg0: i32) -> (i32, i32) {
    %c0_i32 = arith.constant 0 : i32
    %c0_i32_0 = arith.constant 0 : i32
    %c0_i32_1 = arith.constant 0 : i32
    return %c0_i32, %c0_i32_0 : i32, i32
  }
}

</mosaic_0001>

<sc_bundles>
// kernel: kernel.4.cloned.1.call-start
scs
__scs_entry_jumppad:
0x0: {  	(pc) =	sbr.rel $0x88, $3  }
0x1: {  	(tag) =	ssettag $0x0;
	lr =	simm.s32 $0x1  }
0x2: {  	[smem:$0x3F9E] =	sst lr;
	_ =	strace $0xD0000000  }
0x3: {  	_ = 	snop  }
0x4: {  	_ = 	snop  }
0x5: {  	_ = 	snop  }
0x6: {  	_ = 	snop  }
0x7: {  	_ = 	snop  }
__scs_overlays_trampoline_lowered:
0x8: {  	[smem:$0x3FAD] =	sst s0  }
0x9: {  	[smem:$0x3FAE] =	sst s1  }
0xa: {  	[smem:$0x3FAF] =	sst s2  }
0xb: {  	[smem:$0x3FB0] =	sst s3  }
0xc: {  	[smem:$0x3FB1] =	sst s4  }
0xd: {  	[smem:$0x3FB2] =	sst s5  }
0xe: {  	[smem:$0x3FB3] =	sst s6  }
0xf: {  	[smem:$0x3FB4] =	sst s7  }
0x10: {  	[smem:$0x3FB5] =	sst s8  }
0x11: {  	[smem:$0x3FB6] =	sst s9;
	s0 =	simm.s32 @!p0 $0x0  }
0x12: {  	s1 =	sld [smem:$0x3F9C];
	s0 =	simm.s32 @p0 $0x1  }
0x13: {  	[smem:$0x3FB7] =	sst s0;
	s0 =	simm.s32 @!p1 $0x0  }
0x14: {  	s2 =	sld [smem:$0x3F9B];
	s0 =	simm.s32 @p1 $0x1  }
0x15: {  	[smem:$0x3FB8] =	sst s0;
	s0 =	simm.s32 @!p2 $0x0  }
0x16: {  	s3 =	sld [smem:$0x3FDB];
	s0 =	simm.s32 @p2 $0x1  }
0x17: {  	s4 =	simm.s32 $0x1BF5;
	[smem:$0x3FBA] =	sst s0  }
0x18: {  	s0 =	sld [smem:$0x3F9D];
	_ =	swait.ge [sflag:s4], $0x0  }
0x19: {  	s7 =	sld [smem:$0x3F9E]  }
0x1a: {  	s8 =	sadd.s32 $0xFFFFE003, lr  }
0x1b: {  	s9 =	sadd.s32 $0xFFFFFEF7, lr;
	s5 =	simm.s32 $0xFFFFFFFF;
	p2 =	slt.u32 s8, $0xFFFFF086  }
0x1c: {  	p1 =	slt.u32 s9, $0xF7A;
	s5 =	simm.s32 @!p2 $0x0  }
0x1d: {  	s5 =	simm.s32 @p1 $0x1;
	p0 =	seq.s32 s7, s2  }
0x1e: {  	s7 =	smul.u32 @!p0 $0xF7A, s2;
	p2 =	seq.s32 @!p0 s5, $0x0  }
0x1f: {  	s9 =	smul.u32 $0xF7A, s1;
	s8 =	simm.s32 @!p0 $0x1BF5;
	p2 =	por !p2, p0  }
0x20: {  	[sflag:s8] =	ssyncset.s32 @!p0 $0xFFFFF086;
	s6 =	sadd.s32 @!p0 s3, s7;
	s7 =	simm.s32 @!p0 $0x108  }
0x21: {  	s3 =	sadd.s32 s3, s9;
	s6 =	sadd.s32 @!p0 $0x88, s6;
	s7 =	simm.s32 @p2 $0x1082  }
0x22: {  	[simem:s7], [sflag:s8] =	dma.local @!p0 [hbm:s6], $0xF7A  }
0x23: {  	s9 =	sor.u32 $0xD0000000, s2;
	s6 =	simm.s32 $0x108;
	_ =	swait.ge @!p0 [sflag:s8], $0x0  }
0x24: {  	s3 =	sadd.s32 $0x88, s3;
	s6 =	simm.s32 @!p1 $0x1082;
	[sflag:s4] =	ssyncset.s32 $0xFFFFF086  }
0x25: {  	[simem:s6], [sflag:s4] =	dma.local [hbm:s3], $0xF7A  }
0x26: {  	[smem:$0x3F9E] =	sst s1;
	(tag) =	ssettag s2;
	_ =	strace s9  }
0x27: {  	s1 =	sld [smem:$0x3FAE]  }
0x28: {  	s2 =	sld [smem:$0x3FAF]  }
0x29: {  	s4 =	sld [smem:$0x3FB1]  }
0x2a: {  	p0 =	seq.s32 s5, $0x0;
	s5 =	sld [smem:$0x3FB2]  }
0x2b: {  	s6 =	sld [smem:$0x3FB3]  }
0x2c: {  	s7 =	sld [smem:$0x3FB4]  }
0x2d: {  	s3 =	simm.s32 $0x108;
	s8 =	sld [smem:$0x3FB5]  }
0x2e: {  	s3 =	simm.s32 @!p0 $0x1082;
	s9 =	sld [smem:$0x3FB6]  }
0x2f: {  	lr =	sadd.s32 s0, s3;
	s0 =	sld [smem:$0x3FAD]  }
0x30: {  	s3 =	sld [smem:$0x3FB0]  }
0x31: {  	[smem:$0x3FB9] =	sst s10  }
0x32: {  	s10 =	sld [smem:$0x3FB7];
	_ =	sdelay $0x3  }
0x33: {  	p0 =	seq.s32 s10, $0x1;
	s10 =	sld [smem:$0x3FB9];
	_ =	sdelay $0x3  }
0x34: {  	[smem:$0x3FB9] =	sst s10  }
0x35: {  	s10 =	sld [smem:$0x3FB8];
	_ =	sdelay $0x3  }
0x36: {  	p1 =	seq.s32 s10, $0x1;
	s10 =	sld [smem:$0x3FB9];
	_ =	sdelay $0x3  }
0x37: {  	[smem:$0x3FB9] =	sst s10  }
0x38: {  	s10 =	sld [smem:$0x3FBA]  }
0x39: {  	_ = 	snop;
	(pc) =	sbr.ind lr, $3  }
0x3a: {  	_ = 	snop  }
0x3b: {  	_ = 	snop  }
0x3c: {  	p2 =	seq.s32 s10, $0x1;
	s10 =	sld [smem:$0x3FB9]  }
0x3d: {  	_ =	shalt  }
0x3e: {  	_ =	shalt  }
0x3f: {  	_ =	shalt  }
0x40: {  	_ =	shalt  }
0x41: {  	_ =	shalt  }
0x42: {  	_ =	shalt  }
0x43: {  	_ =	shalt  }
0x44: {  	_ =	shalt  }
0x45: {  	_ =	shalt  }
0x46: {  	_ =	shalt  }
0x47: {  	_ =	shalt  }
0x48: {  	_ =	shalt  }
0x49: {  	_ =	shalt  }
0x4a: {  	_ =	shalt  }
0x4b: {  	_ =	shalt  }
0x4c: {  	_ =	shalt  }
0x4d: {  	_ =	shalt  }
0x4e: {  	_ =	shalt  }
0x4f: {  	_ =	shalt  }
0x50: {  	_ =	shalt  }
0x51: {  	_ =	shalt  }
0x52: {  	_ =	shalt  }
0x53: {  	_ =	shalt  }
0x54: {  	_ =	shalt  }
0x55: {  	_ =	shalt  }
0x56: {  	_ =	shalt  }
0x57: {  	_ =	shalt  }
0x58: {  	_ =	shalt  }
0x59: {  	_ =	shalt  }
0x5a: {  	_ =	shalt  }
0x5b: {  	_ =	shalt  }
0x5c: {  	_ =	shalt  }
0x5d: {  	_ =	shalt  }
0x5e: {  	_ =	shalt  }
0x5f: {  	_ =	shalt  }
0x60: {  	_ =	shalt  }
0x61: {  	_ =	shalt  }
0x62: {  	_ =	shalt  }
0x63: {  	_ =	shalt  }
0x64: {  	_ =	shalt  }
0x65: {  	_ =	shalt  }
0x66: {  	_ =	shalt  }
0x67: {  	_ =	shalt  }
0x68: {  	_ =	shalt  }
0x69: {  	_ =	shalt  }
0x6a: {  	_ =	shalt  }
0x6b: {  	_ =	shalt  }
0x6c: {  	_ =	shalt  }
0x6d: {  	_ =	shalt  }
0x6e: {  	_ =	shalt  }
0x6f: {  	_ =	shalt  }
0x70: {  	_ =	shalt  }
0x71: {  	_ =	shalt  }
0x72: {  	_ =	shalt  }
0x73: {  	_ =	shalt  }
0x74: {  	_ =	shalt  }
0x75: {  	_ =	shalt  }
0x76: {  	_ =	shalt  }
0x77: {  	_ =	shalt  }
0x78: {  	_ =	shalt  }
0x79: {  	_ =	shalt  }
0x7a: {  	_ =	shalt  }
0x7b: {  	_ =	shalt  }
0x7c: {  	_ =	shalt  }
0x7d: {  	_ =	shalt  }
0x7e: {  	_ =	shalt  }
0x7f: {  	_ =	shalt  }
0x80: {  	_ =	shalt  }
0x81: {  	_ =	shalt  }
0x82: {  	_ =	shalt  }
0x83: {  	_ =	shalt  }
0x84: {  	_ =	shalt  }
0x85: {  	_ =	shalt  }
0x86: {  	_ =	shalt  }
0x87: {  	_ =	shalt  }
.Lfunc_end0:
.L_simem_size_0:
called_computation_lowered:
.L_overlay_start_0:
0x88: {  	s2 =	sld [smem:$0x3FD9]  }
0x89: {  	s3 =	sld [smem:$0x3FFE];
	_ =	sdelay $0x1  }
0x8a: {  	s1 =	srdreg.scid  }
0x8b: {  	s0 =	sand.u32 $0x1, s1  }
0x8c: {  	s14 =	sshll.u32 s0, $0xA;
	s2 =	sadd.s32 s3, s2  }
0x8d: {  	s2 =	sadd.s32 s2, s14  }
0x8e: {  	[smem:$0x3FC5] =	sst s2  }
0x8f: {  	_ = 	snop  }
0x90: {  	s2 =	sld [smem:$0x3FD0];
	_ =	sdelay $0x2  }
0x91: {  	s15 =	simm.s32 $0xA;
	s4 =	simm.s32 $0x10  }
0x92: {  	[smem:s4], [sflag:s15] =	dma.local [hbm:s2], $0x1  }
0x93: {  	_ =	swait.eq [sflag:s15], $0x1  }
0x94: {  	[sflag:s15] =	ssyncset.done $0x0  }
0x95: {  	[sflag:s15] =	ssyncadd.s32 $0xFFFFFFFF  }
0x96: {  	s16 =	sld [smem:$0x10];
	(tm) =	ssettm $0x1  }
0x97: {  	s17 =	sld [smem:$0x3FFB];
	_ =	sdelay $0x3  }
0x98: {  	_ =	strace s17  }
0x99: {  	s3 =	sld [smem:$0x3FFC];
	_ =	sdelay $0x3  }
0x9a: {  	_ =	strace s3  }
0x9b: {  	s3 =	sld [smem:$0x3FFD];
	_ =	sdelay $0x3  }
0x9c: {  	_ =	strace s3  }
0x9d: {  	_ =	strace $0x8FFFFFFF  }
0x9e: {  	s18 =	sld [smem:$0x3FDB];
	_ =	sdelay $0x1  }
0x9f: {  	s19 =	simm.s32 $_scs_section_size  }
0xa0: {  	s5 =	simm.s32 $_size__tile_overlayer_lowered;
	s6 =	simm.s32 $_tile_overlayer_lowered  }
0xa1: {  	s22 =	simm.s32 $0x1BFF;
	s21 =	sshll.u32 s6, $0x1;
	s3 =	sadd.s32 s19, s18  }
0xa2: {  	s7 =	simm.s32 $0x0;
	s20 =	sshll.u32 s5, $0x1;
	s5 =	sadd.s32 s21, s3  }
0xa3: {  	[timem:s7], [sflag:s22] =	dma.local [hbm:s5], s20  }
0xa4: {  	_ =	swait.ge [sflag:s22], s20  }
0xa5: {  	s4 =	ssub.s32 $0x0, s20;
	[sflag:s22] =	ssyncset.done $0x0  }
0xa6: {  	[sflag:s22] =	ssyncadd.s32 s4;
	_ =	sdelay $0x1  }
0xa7: {  	s23 =	simm.s32 $0x1B8B  }
0xa8: {  	_ =	swait.ge [sflag:s23], $0x1  }
0xa9: {  	[sflag:s23] =	ssyncset.done $0x0  }
0xaa: {  	s25 =	simm.s32 $0x1B8E;
	s24 =	sld [smem:$0x3FFE];
	[sflag:s23] =	ssyncadd.s32 $0xFFFFFFFF  }
0xab: {  	s26 =	simm.s32 $execute0_lowered;
	[smem:$0x3FD2] =	sst s25  }
0xac: {  	s5 =	sshll.u32 s26, $0x1;
	_ =	strace $0x80000046;
	[dreg:$0x1] =	wrdreg $0xFFFFFFFF  }
0xad: {  	s28 =	simm.s32 $_size_execute0_lowered;
	s3 =	sadd.s32 s3, s5;
	[dreg:$0x0] =	wrdreg $0x0  }
0xae: {  	s5 =	sshll.u32 s28, $0x1;
	[dreg:$0x2] =	wrdreg s3  }
0xaf: {  	[dreg:$0x3] =	wrdreg s5  }
0xb0: {  	[dreg:$0x4] =	wrdreg $0xC0  }
0xb1: {  	_ =	task [dreg:s7], $0x5FFFF  }
0xb2: {  	[dreg:$0x1] =	wrdreg $0xFFFFFFFF  }
0xb3: {  	[dreg:$0x0] =	wrdreg $0x60  }
0xb4: {  	[dreg:$0x2] =	wrdreg s24  }
0xb5: {  	[dreg:$0x3] =	wrdreg s16  }
0xb6: {  	[dreg:$0x4] =	wrdreg $0x9  }
0xb7: {  	_ =	task.clear_ibuf [dreg:s7], $0x5FFFF;
	_ =	strace $0x90000046  }
0xb8: {  	s29 =	simm.s32 $0x9;
	_ =	strace $0x80000048  }
0xb9: {  	_ =	swait.ge [sflag:s29], $0x1  }
0xba: {  	[sflag:s29] =	ssyncadd.s32 $0xFFFFFFFF  }
0xbb: {  	_ =	strace $0x90000048  }
0xbc: {  	_ =	sfence  }
0xbd: {  	s30 =	sld [smem:$0x0];
	_ =	sdelay $0x2  }
0xbe: {  	s31 =	sshll.u32 s1, $0xD;
	s1 =	sshrl.u32 s1, $0x2  }
0xbf: {  	s3 =	sand.u32 $0x4000, s31;
	s1 =	sadd.s32 s1, s30  }
0xc0: {  	s0 =	sor.u32 s3, s0;
	s1 =	sshll.u32 s1, $0x11  }
0xc1: {  	s0 =	sor.u32 s1, s0  }
0xc2: {  	s0 =	sadd.s32 $0x8F2B, s0  }
0xc3: {  	[sflag:s0] =	ssyncadd.remote.s32 $0x1  }
0xc4: {  	_ =	sfence.sel $0xFFFF  }
0xc5: {  	[dreg:$0x0] =	wrdreg $0xFFFFFFFF;
	(pc) =	sbr.abs _section_cstart, $3  }
0xc6: {  	[dreg:$0x1] =	wrdreg $0xFFFFFFFF  }
0xc7: {  	_ =	task.clear_ibuf [dreg:s7], $0x2FFFF;
	_ =	strace $0x9FFFFFFF  }
0xc8: {  	(tm) =	ssettm $0x7FFFFFFF  }
0xc9: {  	_ =	shalt  }
tec
execute0_lowered:
.L_overlay_start_1:
0x0: {  	(tag) =	ssettag $0x1  }
0x1: {  	s1 =	srdreg.scid;
	s0 =	stileid.u32  }
0x2: {  	s5 =	rddreg [dreg:$0x0];
	s12 =	sand.u32 $0x1, s1;
	s30 =	sshll.u32 s0, $0x1  }
0x3: {  	s14 =	rddreg [dreg:$0x1];
	s15 =	sor.u32 s12, s30  }
0x4: {  	s2 =	simm.s32 $0x0;
	s1 =	rddreg [dreg:$0x2];
	s3 =	sshll.u32 s15, $0x6  }
0x5: {  	[smem:$0x7FF] =	sst s2;
	s3 =	sadd.s32 s3, s5  }
0x6: {  	_ =	strace $0x80000047;
	s4 =	sadd.s32 $0x10800, s3;
	s3 =	simm.s32 $0x2  }
0x7: {  	[tilespmem:s2], [sflag:$0x2] =	stream.linear.gather [hbm4b:s4+s2], $0x200, $0x38;
	[tilespmem:$0x8200] =	vst v63  }
0x8: {  	_ =	swait.ge [sflag:s3], $0x200  }
0x9: {  	s6 =	simm.s32 $0x80;
	s7 =	simm.s32 $0x200;
	[sflag:s3] =	ssyncset.done $0x0  }
0xa: {  	s8 =	simm.s32 $0x1;
	s5 =	sadd.s32 $0x800, s5;
	[sflag:s3] =	ssyncadd.s32 $0xFFFFFE00  }
0xb: {  	[tilespmem:s7], [sflag:$0x1] =	stream.indirect.gather [hbm4b:s5+s6], $0x40, s2, s6, $0xb8;
	[tilespmem:$0x8200] =	vst v63  }
0xc: {  	_ =	swait.ge [sflag:s8], $0x2000  }
0xd: {  	[sflag:s8] =	ssyncset.done $0x0  }
0xe: {  	s9 =	simm.s32 $0x2200;
	[sflag:s8] =	ssyncadd.s32 $0xFFFFE000  }
0xf: {  	[tilespmem:s9], [sflag:$0x1] =	stream.indirect.gather [hbm4b:s5+s6], $0x40, s6, s6, $0xb8;
	[tilespmem:$0x8200] =	vst v63  }
0x10: {  	_ =	swait.ge [sflag:s8], $0x2000  }
0x11: {  	s10 =	simm.s32 $0x100;
	[sflag:s8] =	ssyncset.done $0x0  }
0x12: {  	s11 =	simm.s32 $0x4200;
	s16 =	ssub.s32 $0x2, s12;
	[sflag:s8] =	ssyncadd.s32 $0xFFFFE000  }
0x13: {  	[tilespmem:s11], [sflag:$0x1] =	stream.indirect.gather [hbm4b:s5+s6], $0x40, s10, s6, $0xb8;
	[tilespmem:$0x8200] =	vst v63  }
0x14: {  	s17 =	sshrl.u32 s16, $0x1;
	_ =	swait.ge [sflag:s8], $0x2000  }
0x15: {  	s13 =	simm.s32 $0x6200;
	s16 =	ssub.s32 s16, s17;
	[sflag:s8] =	ssyncset.done $0x0  }
0x16: {  	s12 =	simm.s32 $0x180;
	s31 =	smax.u32 s16, $0x1;
	[sflag:s8] =	ssyncadd.s32 $0xFFFFE000  }
0x17: {  	[tilespmem:s13], [sflag:$0x1] =	stream.indirect.gather [hbm4b:s5+s6], $0x40, s12, s6, $0xb8;
	[tilespmem:$0x8200] =	vst v63  }
0x18: {  	p0 =	sne.s32 s31, $0x1;
	_ =	swait.ge [sflag:s8], $0x2000  }
.Ltmp0:
0x19: {  	s15 =	sshll.u32 s15, $0xC;
	[sflag:s8] =	ssyncset.done $0x0;
	(pc) =	sbr.rel @!p0 .LBB2_2-.Ltmp0, $4  }
0x1a: {  	s14 =	sadd.s32 s14, s15;
	[sflag:s8] =	ssyncadd.s32 $0xFFFFE000  }
0x1b: {  	[hbm4b:s14+s2] =	stream.linear.scatter [tilespmem:s7], [sflag:$0x2], $0x8000, $0x38;
	[tilespmem:$0x8200] =	vst v63  }
0x1c: {  	_ =	swait.ge [sflag:s3], $0x8000  }
0x1d: {  	s15 =	sadd.s32 $0xFFFFFFFF, s31;
	[sflag:s3] =	ssyncset.done $0x0  }
.LBB2_1:
0x1e: {  	p0 =	sne.s32 s15, $0x1;
	s15 =	sadd.s32 $0xFFFFFFFF, s15;
	[sflag:s3] =	ssyncadd.s32 $0xFFFF8000  }
0x1f: {  	[tilespmem:s2], [sflag:$0x2] =	stream.linear.gather [hbm4b:s4+s2], $0x200, $0x38;
	[tilespmem:$0x8200] =	vst v63  }
0x20: {  	_ =	swait.ge [sflag:s3], $0x200  }
0x21: {  	[sflag:s3] =	ssyncset.done $0x0  }
0x22: {  	[sflag:s3] =	ssyncadd.s32 $0xFFFFFE00  }
0x23: {  	[tilespmem:s7], [sflag:$0x1] =	stream.indirect.gather [hbm4b:s5+s6], $0x40, s2, s6, $0xb8;
	[tilespmem:$0x8200] =	vst v63  }
0x24: {  	_ =	swait.ge [sflag:s8], $0x2000  }
0x25: {  	[sflag:s8] =	ssyncset.done $0x0  }
0x26: {  	[sflag:s8] =	ssyncadd.s32 $0xFFFFE000  }
0x27: {  	[tilespmem:s9], [sflag:$0x1] =	stream.indirect.gather [hbm4b:s5+s6], $0x40, s6, s6, $0xb8;
	[tilespmem:$0x8200] =	vst v63  }
0x28: {  	_ =	swait.ge [sflag:s8], $0x2000  }
0x29: {  	[sflag:s8] =	ssyncset.done $0x0  }
0x2a: {  	[sflag:s8] =	ssyncadd.s32 $0xFFFFE000  }
0x2b: {  	[tilespmem:s11], [sflag:$0x1] =	stream.indirect.gather [hbm4b:s5+s6], $0x40, s10, s6, $0xb8;
	[tilespmem:$0x8200] =	vst v63  }
0x2c: {  	_ =	swait.ge [sflag:s8], $0x2000  }
0x2d: {  	[sflag:s8] =	ssyncset.done $0x0  }
0x2e: {  	[sflag:s8] =	ssyncadd.s32 $0xFFFFE000  }
0x2f: {  	[tilespmem:s13], [sflag:$0x1] =	stream.indirect.gather [hbm4b:s5+s6], $0x40, s12, s6, $0xb8;
	[tilespmem:$0x8200] =	vst v63  }
0x30: {  	_ =	swait.ge [sflag:s8], $0x2000  }
.Ltmp1:
0x31: {  	[sflag:s8] =	ssyncset.done $0x0;
	(pc) =	sbr.rel @p0 .LBB2_1-.Ltmp1, $4  }
0x32: {  	[sflag:s8] =	ssyncadd.s32 $0xFFFFE000  }
0x33: {  	[hbm4b:s14+s2] =	stream.linear.scatter [tilespmem:s7], [sflag:$0x2], $0x8000, $0x38;
	[tilespmem:$0x8200] =	vst v63  }
0x34: {  	_ =	swait.ge [sflag:s3], $0x8000  }
0x35: {  	[sflag:s3] =	ssyncset.done $0x0  }
.LBB2_2:
0x36: {  	[sflag:s3] =	ssyncadd.s32 $0xFFFF8000  }
0x37: {  	_ =	sfence.sel $0x180000  }
0x38: {  	[bflag:$0x0] =	sbarrier.arrive $0xFFFF  }
0x39: {  	p0 =	sne.s32 s0, $0x0;
	_ =	strace $0x90000047  }
0x3a: {  	s0 =	sadd.s32 @!p0 $0x100000, s1;
	[bflag:$0x2] =	sbarrier.arrive $0xFFFF  }
0x3b: {  	[sflag:s0] =	ssyncadd.tile.s32 @!p0 $0x1;
	_ =	shalt  }
.Lfunc_end2:
_tile_overlayer_lowered:
.L_overlay_start_2:
0x3c: {  	(tag) =	ssettag $0x2  }
0x3d: {  	s0 =	rddreg [dreg:$0x0];
	s2 =	stileid.u32  }
0x3e: {  	s1 =	rddreg [dreg:$0x1];
	p0 =	sne.s32 s2, $0x0  }
0x3f: {  	s3 =	rddreg [dreg:$0x2];
	[bflag:$0x3] =	sbarrier.arrive $0xFFFF;
	s2 =	simm.s32 @!p0 $0x1C02  }
0x40: {  	[timem:s3], [sflag:s2] =	dma.local @!p0 [hbm:s0], s1  }
0x41: {  	s0 =	simm.s32 @!p0 $0x2  }
0x42: {  	_ =	swait.ge @!p0 [sflag:s0], s1  }
0x43: {  	s1 =	ssub.s32 @!p0 $0x0, s1;
	[sflag:s0] =	ssyncset.done @!p0 $0x0  }
0x44: {  	[sflag:s0] =	ssyncadd.s32 @!p0 s1  }
0x45: {  	[bflag:$0x3] =	sbarrier.arrive $0xFFFF  }
0x46: {  	_ =	shalt  }

</sc_bundles>
